<compile_context>
chip_gen: v7x
topology: tpu7x:2x2x1
jax: 0.10.2.dev20260603
libtpu: 0.0.44.dev20260713+nightly
codegen_flags: <defaults>
</compile_context>

<pallas_src>
import jax
import jax.numpy as jnp
from jax.experimental import pallas as pl


def _pass1(av, s0c, s0, n, h, bi):
    two_n = av.shape[1]

    def body(a_ref, s0c_ref, s0_ref, row_ref, g_ref):
        k = pl.program_id(0)
        a = a_ref[...]
        row_ref[...] = jnp.dot(a, s0c_ref[...], preferred_element_type=jnp.float32)
        gt = jax.lax.dot_general(
            a, s0_ref[...],
            dimension_numbers=(((0,), (0,)), ((), ())),
            preferred_element_type=jnp.float32)

        @pl.when(k == 0)
        def _():
            g_ref[...] = gt

        @pl.when(k != 0)
        def _():
            g_ref[...] = g_ref[...] + gt

    return pl.pallas_call(
        body,
        grid=(n // bi,),
        in_specs=[
            pl.BlockSpec((bi, two_n), lambda k: (k, 0)),
            pl.BlockSpec((two_n, h), lambda k: (0, 0)),
            pl.BlockSpec((bi, h), lambda k: (k, 0)),
        ],
        out_specs=[
            pl.BlockSpec((bi, h), lambda k: (k, 0)),
            pl.BlockSpec((two_n, h), lambda k: (0, 0)),
        ],
        out_shape=[
            jax.ShapeDtypeStruct((n, h), jnp.float32),
            jax.ShapeDtypeStruct((two_n, h), jnp.float32),
        ],
    )(av, s0c, s0)


def _pass2(av, s1c, s1, bs, n, h, bk):

    def body(at_ref, aca_ref, acb_ref, s1c_ref, s1_ref, row_ref, ga_ref, gb_ref):
        k = pl.program_id(0)
        row_t = jnp.dot(at_ref[...], s1c_ref[...], preferred_element_type=jnp.float32)
        dn = (((0,), (0,)), ((), ()))
        ga_t = jax.lax.dot_general(aca_ref[...], s1_ref[...], dimension_numbers=dn,
                                   preferred_element_type=jnp.float32)
        gb_t = jax.lax.dot_general(acb_ref[...], s1_ref[...], dimension_numbers=dn,
                                   preferred_element_type=jnp.float32)

        @pl.when(k == 0)
        def _():
            row_ref[...] = row_t
            ga_ref[...] = ga_t
            gb_ref[...] = gb_t

        @pl.when(k != 0)
        def _():
            row_ref[...] = row_ref[...] + row_t
            ga_ref[...] = ga_ref[...] + ga_t
            gb_ref[...] = gb_ref[...] + gb_t

    nb = n // bs
    return pl.pallas_call(
        body,
        grid=(n // bk,),
        in_specs=[
            pl.BlockSpec((bs, 2 * bk), lambda k: (0, k)),
            pl.BlockSpec((bk, bs), lambda k: (k, 0)),
            pl.BlockSpec((bk, bs), lambda k: (k, nb)),
            pl.BlockSpec((2 * bk, h), lambda k: (k, 0)),
            pl.BlockSpec((bk, h), lambda k: (k, 0)),
        ],
        out_specs=[
            pl.BlockSpec((bs, h), lambda k: (0, 0)),
            pl.BlockSpec((bs, h), lambda k: (0, 0)),
            pl.BlockSpec((bs, h), lambda k: (0, 0)),
        ],
        out_shape=[
            jax.ShapeDtypeStruct((bs, h), jnp.float32),
            jax.ShapeDtypeStruct((bs, h), jnp.float32),
            jax.ShapeDtypeStruct((bs, h), jnp.float32),
        ],
    )(av, av, av, s1c, s1)


def _leaky(x):
    return jnp.where(x >= 0, x, 0.01 * x)


def _heads(ge, x_top, tweets, pe_w0, pe_b0, pe_wo, pe_bo,
           w1a, w1b, w1c, bc_b1, bc_w2, bc_b2):
    bs = tweets.shape[0]

    def body(ge_ref, xp_ref, tw_ref, pw0_ref, pb0_ref, pwo_ref, pbo_ref,
             w1a_ref, w1b_ref, w1c_ref, b1_ref, w2_ref, b2_ref, out_ref):
        hp = jnp.dot(xp_ref[...], pw0_ref[...], preferred_element_type=jnp.float32)
        hp = _leaky(hp + pb0_ref[...])
        prop = jnp.dot(hp, pwo_ref[...], preferred_element_type=jnp.float32) + pbo_ref[...]
        hid = (jnp.dot(ge_ref[...], w1a_ref[...], preferred_element_type=jnp.float32)
               + jnp.dot(prop, w1b_ref[...], preferred_element_type=jnp.float32)
               + jnp.dot(tw_ref[...], w1c_ref[...], preferred_element_type=jnp.float32)
               + b1_ref[...])
        hid = _leaky(hid)
        logits = _leaky(jnp.dot(hid, w2_ref[...], preferred_element_type=jnp.float32)
                        + b2_ref[...])
        m = jnp.max(logits, axis=-1, keepdims=True)
        e = jnp.exp(logits - m)
        out_ref[...] = e / jnp.sum(e, axis=-1, keepdims=True)

    return pl.pallas_call(
        body,
        out_shape=jax.ShapeDtypeStruct((bs, 2), jnp.float32),
    )(ge, x_top, tweets, pe_w0, pe_b0, pe_wo, pe_bo,
      w1a, w1b, w1c, bc_b1, bc_w2, bc_b2)


def kernel(x_feature, adj_matrix, des, tweets, batch_size,
           rel_w, gc_w0, gc_b0, gc_w1, gc_b1,
           pe_w0, pe_b0, pe_wo, pe_bo,
           bc_w1, bc_b1, bc_w2, bc_b2):
    n, f = x_feature.shape
    r = adj_matrix.shape[2]
    h = gc_w0.shape[1]
    bs, t = tweets.shape

    av = adj_matrix.transpose(0, 2, 1).reshape(n, r * n).astype(jnp.bfloat16)
    w = rel_w[:, 0]

    s0 = jnp.dot(x_feature, gc_w0)
    s0c = jnp.concatenate([w[0] * s0, w[1] * s0], axis=0).astype(jnp.bfloat16)
    row1, g1 = _pass1(av, s0c, s0.astype(jnp.bfloat16), n, h, bi=256)
    col1 = w[0] * g1[:n] + w[1] * g1[n:]
    out0 = row1 + col1 + gc_b0[None, :]

    s1 = jnp.dot(out0, gc_w1)
    s1c = jnp.concatenate([w[0] * s1, w[1] * s1], axis=0).astype(jnp.bfloat16)
    row2, g2a, g2b = _pass2(av, s1c, s1.astype(jnp.bfloat16), bs, n, h, bk=256)
    col2 = w[0] * g2a + w[1] * g2b
    out1_top = row2 + col2 + gc_b1[None, :]

    graph_emb = 0.5 * (out0[:bs] + out1_top)

    x_top = x_feature[:bs]
    return _heads(graph_emb, x_top, tweets,
                  pe_w0, pe_b0.reshape(1, h), pe_wo, pe_bo.reshape(1, h),
                  bc_w1[:h], bc_w1[h:2 * h], bc_w1[2 * h:],
                  bc_b1.reshape(1, h), bc_w2, bc_b2.reshape(1, 2))

# --- scband reference (transcript-rebuilt; emitter-appended) ---
"""Pipeline reference for scband-similarity-model-26147760898474 (READ-ONLY COPY).

The authoritative reference and input builder live on the scoring server;
editing this copy changes nothing except your own understanding.
"""

import jax, jax.numpy as jnp
import numpy as np

N = 4096
F = 8
H = 64
T = 768
B = 1024
R = 2


def setup_inputs(seed: int = 0) -> dict:
    key = jax.random.key(seed)
    ks = jax.random.split(key, 20)
    inp = {}
    inp["x_feature"] = jax.random.normal(ks[0], (N, F), dtype=jnp.float32)
    inp["adj_matrix"] = jax.random.uniform(ks[1], (N, N, R), dtype=jnp.float32)
    inp["des"] = jax.random.normal(ks[2], (B, T), dtype=jnp.float32)
    inp["tweets"] = jax.random.normal(ks[3], (B, T), dtype=jnp.float32)
    inp["batch_size"] = B
    # MHGCN params
    inp["rel_w"] = jax.random.uniform(ks[4], (R, 1), minval=0.0, maxval=0.1, dtype=jnp.float32)
    sv = 1.0 / np.sqrt(H)
    inp["gc_w0"] = jax.random.uniform(ks[5], (F, H), minval=-sv, maxval=sv, dtype=jnp.float32)
    inp["gc_b0"] = jax.random.uniform(ks[6], (H,), minval=-sv, maxval=sv, dtype=jnp.float32)
    inp["gc_w1"] = jax.random.uniform(ks[7], (H, H), minval=-sv, maxval=sv, dtype=jnp.float32)
    inp["gc_b1"] = jax.random.uniform(ks[8], (H,), minval=-sv, maxval=sv, dtype=jnp.float32)
    # PropertyEmbedding params
    inp["pe_w0"] = jax.random.normal(ks[9], (F, H), dtype=jnp.float32) * 0.1
    inp["pe_b0"] = jnp.zeros((H,), dtype=jnp.float32)
    inp["pe_wo"] = jax.random.normal(ks[10], (H, H), dtype=jnp.float32) * 0.1
    inp["pe_bo"] = jnp.zeros((H,), dtype=jnp.float32)
    # BotClassifier params: input dim = 2*H + T
    D = 2 * H + T
    inp["bc_w1"] = jax.random.normal(ks[11], (D, H), dtype=jnp.float32) * (1.0 / np.sqrt(D))
    inp["bc_b1"] = jnp.zeros((H,), dtype=jnp.float32)
    inp["bc_w2"] = jax.random.normal(ks[12], (H, 2), dtype=jnp.float32) * (1.0 / np.sqrt(H))
    inp["bc_b2"] = jnp.zeros((2,), dtype=jnp.float32)
    return inp


def reference(x_feature, adj_matrix, des, tweets, batch_size,
              rel_w, gc_w0, gc_b0, gc_w1, gc_b1,
              pe_w0, pe_b0, pe_wo, pe_bo,
              bc_w1, bc_b1, bc_w2, bc_b2):
    # MHGCN: collapse relations into a single adjacency, symmetrize
    mh = jnp.matmul(adj_matrix, rel_w)  # [N, N, 1]
    mh = jnp.squeeze(mh, axis=2)        # [N, N]
    mh = mh + mh.T
    # GCN layer 0
    support0 = jnp.matmul(x_feature, gc_w0)
    out0 = jnp.matmul(mh, support0) + gc_b0
    # GCN layer 1
    support1 = jnp.matmul(out0, gc_w1)
    out1 = jnp.matmul(mh, support1) + gc_b1
    gc_output = jnp.stack([out0, out1], axis=0).mean(axis=0)
    bs = tweets.shape[0]
    graph_emb = jax.lax.dynamic_slice_in_dim(gc_output, batch_size - bs, bs, axis=0)
    # PropertyEmbedding (dropout=0)
    user_props = jax.lax.dynamic_slice_in_dim(x_feature, batch_size - bs, bs, axis=0)
    h = jax.nn.leaky_relu(jnp.matmul(user_props, pe_w0) + pe_b0)
    prop_emb = jnp.matmul(h, pe_wo) + pe_bo
    # Concat + BotClassifier
    user_feature = jnp.concatenate([graph_emb, prop_emb, tweets], axis=1)
    hid = jax.nn.leaky_relu(jnp.matmul(user_feature, bc_w1) + bc_b1)
    logits = jax.nn.leaky_relu(jnp.matmul(hid, bc_w2) + bc_b2)
    return jax.nn.softmax(logits, axis=-1)

if __name__ == "__main__":
    import jax
    _d = setup_inputs()
    print(jax.jit(kernel)(*tuple(_d.values())))

</pallas_src>

<mosaic_0001>
module attributes {stable_mosaic.version = 14 : i64} {
  func.func @body(%arg0: i32, %arg1: memref<256x8192xbf16, #tpu.memory_space<vmem>>, %arg2: memref<8192x64xbf16, #tpu.memory_space<vmem>>, %arg3: memref<256x64xbf16, #tpu.memory_space<vmem>>, %arg4: memref<256x64xf32, #tpu.memory_space<vmem>>, %arg5: memref<8192x64xf32, #tpu.memory_space<vmem>>) attributes {dimension_semantics = [#tpu.dimension_semantics<arbitrary>], iteration_bounds = array<i64: 16>, scalar_prefetch = 0 : i64, scratch_operands = 0 : i64, tpu.core_type = #tpu.core_type<tc>, window_params = [{transform_indices = @transform_0, window_bounds = array<i64: 256, 8192>}, {pipeline_mode = #tpu.pipeline_mode<synchronous>, transform_indices = @transform_1, window_bounds = array<i64: 8192, 64>}, {transform_indices = @transform_2, window_bounds = array<i64: 256, 64>}, {transform_indices = @transform_3, window_bounds = array<i64: 256, 64>}, {pipeline_mode = #tpu.pipeline_mode<synchronous>, transform_indices = @transform_4, window_bounds = array<i64: 8192, 64>}]} {
    %get3A = arith.constant 0 : index
    %get3A_0 = arith.constant 0 : index
    %get3A_1 = vector.load %arg1[%get3A, %get3A_0] : memref<256x8192xbf16, #tpu.memory_space<vmem>>, vector<256x8192xbf16>
    %get3A_2 = arith.constant 0 : index
    %get3A_3 = arith.constant 0 : index
    %get3A_4 = vector.load %arg2[%get3A_2, %get3A_3] : memref<8192x64xbf16, #tpu.memory_space<vmem>>, vector<8192x64xbf16>
    %dot_general3A = arith.constant dense<0.000000e+00> : vector<256x64xf32>
    %dot_general3A_5 = tpu.matmul %get3A_1, %get3A_4, %dot_general3A {dimension_numbers = #tpu.dot_dimension_numbers<[1], [0], [0], [1], [0, 0, 1, 1], [], []>, transpose_lhs_hint = false} : vector<256x8192xbf16>, vector<8192x64xbf16>, vector<256x64xf32> -> vector<256x64xf32>
    %swap3A = arith.constant 0 : index
    %swap3A_6 = arith.constant 0 : index
    %swap3A_7 = vector.load %arg4[%swap3A, %swap3A_6] : memref<256x64xf32, #tpu.memory_space<vmem>>, vector<256x64xf32>
    tpu.vector_store %arg4[%swap3A, %swap3A_6], %dot_general3A_5 {strides = array<i32>} : memref<256x64xf32, #tpu.memory_space<vmem>>, vector<256x64xf32>,
    %get3A_8 = arith.constant 0 : index
    %get3A_9 = arith.constant 0 : index
    %get3A_10 = vector.load %arg3[%get3A_8, %get3A_9] : memref<256x64xbf16, #tpu.memory_space<vmem>>, vector<256x64xbf16>
    %dot_general3A_11 = arith.constant dense<0.000000e+00> : vector<8192x64xf32>
    %dot_general3A_12 = tpu.matmul %get3A_1, %get3A_10, %dot_general3A_11 {dimension_numbers = #tpu.dot_dimension_numbers<[0], [0], [1], [1], [0, 1, 1, 1], [], []>, transpose_lhs_hint = false} : vector<256x8192xbf16>, vector<256x64xbf16>, vector<8192x64xf32> -> vector<8192x64xf32>
    %eq3A = arith.constant 0 : i32
    %eq3A_13 = arith.cmpi eq, %arg0, %eq3A : i32
    %convert_element_type3A = arith.extui %eq3A_13 : i1 to i32
    %cond3A = arith.constant 0 : i32
    %cond3A_14 = arith.cmpi ne, %convert_element_type3A, %cond3A : i32
    scf.if %cond3A_14 {
      %swap3A_19 = arith.constant 0 : index
      %swap3A_20 = arith.constant 0 : index
      %swap3A_21 = vector.load %arg5[%swap3A_19, %swap3A_20] : memref<8192x64xf32, #tpu.memory_space<vmem>>, vector<8192x64xf32>
      tpu.vector_store %arg5[%swap3A_19, %swap3A_20], %dot_general3A_12 {strides = array<i32>} : memref<8192x64xf32, #tpu.memory_space<vmem>>, vector<8192x64xf32>,
    } else {
    }
    %ne3A = arith.constant 0 : i32
    %ne3A_15 = arith.cmpi ne, %arg0, %ne3A : i32
    %convert_element_type3A_16 = arith.extui %ne3A_15 : i1 to i32
    %cond3A_17 = arith.constant 0 : i32
    %cond3A_18 = arith.cmpi ne, %convert_element_type3A_16, %cond3A_17 : i32
    scf.if %cond3A_18 {
      %get3A_19 = arith.constant 0 : index
      %get3A_20 = arith.constant 0 : index
      %get3A_21 = vector.load %arg5[%get3A_19, %get3A_20] : memref<8192x64xf32, #tpu.memory_space<vmem>>, vector<8192x64xf32>
      %add3A = arith.addf %get3A_21, %dot_general3A_12 : vector<8192x64xf32>
      %swap3A_22 = arith.constant 0 : index
      %swap3A_23 = arith.constant 0 : index
      %swap3A_24 = vector.load %arg5[%swap3A_22, %swap3A_23] : memref<8192x64xf32, #tpu.memory_space<vmem>>, vector<8192x64xf32>
      tpu.vector_store %arg5[%swap3A_22, %swap3A_23], %add3A {strides = array<i32>} : memref<8192x64xf32, #tpu.memory_space<vmem>>, vector<8192x64xf32>,
    } else {
    }
    return
  }
  func.func @transform_0(%arg0: i32) -> (i32, i32) {
    %c0_i32 = arith.constant 0 : i32
    %c0_i32_0 = arith.constant 0 : i32
    return %arg0, %c0_i32 : i32, i32
  }
  func.func @transform_1(%arg0: i32) -> (i32, i32) {
    %c0_i32 = arith.constant 0 : i32
    %c0_i32_0 = arith.constant 0 : i32
    %c0_i32_1 = arith.constant 0 : i32
    return %c0_i32, %c0_i32_0 : i32, i32
  }
  func.func @transform_2(%arg0: i32) -> (i32, i32) {
    %c0_i32 = arith.constant 0 : i32
    %c0_i32_0 = arith.constant 0 : i32
    return %arg0, %c0_i32 : i32, i32
  }
  func.func @transform_3(%arg0: i32) -> (i32, i32) {
    %c0_i32 = arith.constant 0 : i32
    %c0_i32_0 = arith.constant 0 : i32
    return %arg0, %c0_i32 : i32, i32
  }
  func.func @transform_4(%arg0: i32) -> (i32, i32) {
    %c0_i32 = arith.constant 0 : i32
    %c0_i32_0 = arith.constant 0 : i32
    %c0_i32_1 = arith.constant 0 : i32
    return %c0_i32, %c0_i32_0 : i32, i32
  }
}

module attributes {stable_mosaic.version = 14 : i64} {
  func.func @body(%arg0: i32, %arg1: memref<1024x512xbf16, #tpu.memory_space<vmem>>, %arg2: memref<256x1024xbf16, #tpu.memory_space<vmem>>, %arg3: memref<256x1024xbf16, #tpu.memory_space<vmem>>, %arg4: memref<512x64xbf16, #tpu.memory_space<vmem>>, %arg5: memref<256x64xbf16, #tpu.memory_space<vmem>>, %arg6: memref<1024x64xf32, #tpu.memory_space<vmem>>, %arg7: memref<1024x64xf32, #tpu.memory_space<vmem>>, %arg8: memref<1024x64xf32, #tpu.memory_space<vmem>>) attributes {dimension_semantics = [#tpu.dimension_semantics<arbitrary>], iteration_bounds = array<i64: 16>, scalar_prefetch = 0 : i64, scratch_operands = 0 : i64, tpu.core_type = #tpu.core_type<tc>, window_params = [{transform_indices = @transform_0, window_bounds = array<i64: 1024, 512>}, {transform_indices = @transform_1, window_bounds = array<i64: 256, 1024>}, {transform_indices = @transform_2, window_bounds = array<i64: 256, 1024>}, {transform_indices = @transform_3, window_bounds = array<i64: 512, 64>}, {transform_indices = @transform_4, window_bounds = array<i64: 256, 64>}, {pipeline_mode = #tpu.pipeline_mode<synchronous>, transform_indices = @transform_5, window_bounds = array<i64: 1024, 64>}, {pipeline_mode = #tpu.pipeline_mode<synchronous>, transform_indices = @transform_6, window_bounds = array<i64: 1024, 64>}, {pipeline_mode = #tpu.pipeline_mode<synchronous>, transform_indices = @transform_7, window_bounds = array<i64: 1024, 64>}]} {
    %get3A = arith.constant 0 : index
    %get3A_0 = arith.constant 0 : index
    %get3A_1 = vector.load %arg1[%get3A, %get3A_0] : memref<1024x512xbf16, #tpu.memory_space<vmem>>, vector<1024x512xbf16>
    %get3A_2 = arith.constant 0 : index
    %get3A_3 = arith.constant 0 : index
    %get3A_4 = vector.load %arg4[%get3A_2, %get3A_3] : memref<512x64xbf16, #tpu.memory_space<vmem>>, vector<512x64xbf16>
    %dot_general3A = arith.constant dense<0.000000e+00> : vector<1024x64xf32>
    %dot_general3A_5 = tpu.matmul %get3A_1, %get3A_4, %dot_general3A {dimension_numbers = #tpu.dot_dimension_numbers<[1], [0], [0], [1], [0, 0, 1, 1], [], []>, transpose_lhs_hint = false} : vector<1024x512xbf16>, vector<512x64xbf16>, vector<1024x64xf32> -> vector<1024x64xf32>
    %get3A_6 = arith.constant 0 : index
    %get3A_7 = arith.constant 0 : index
    %get3A_8 = vector.load %arg2[%get3A_6, %get3A_7] : memref<256x1024xbf16, #tpu.memory_space<vmem>>, vector<256x1024xbf16>
    %get3A_9 = arith.constant 0 : index
    %get3A_10 = arith.constant 0 : index
    %get3A_11 = vector.load %arg5[%get3A_9, %get3A_10] : memref<256x64xbf16, #tpu.memory_space<vmem>>, vector<256x64xbf16>
    %dot_general3A_12 = arith.constant dense<0.000000e+00> : vector<1024x64xf32>
    %dot_general3A_13 = tpu.matmul %get3A_8, %get3A_11, %dot_general3A_12 {dimension_numbers = #tpu.dot_dimension_numbers<[0], [0], [1], [1], [0, 1, 1, 1], [], []>, transpose_lhs_hint = false} : vector<256x1024xbf16>, vector<256x64xbf16>, vector<1024x64xf32> -> vector<1024x64xf32>
    %get3A_14 = arith.constant 0 : index
    %get3A_15 = arith.constant 0 : index
    %get3A_16 = vector.load %arg3[%get3A_14, %get3A_15] : memref<256x1024xbf16, #tpu.memory_space<vmem>>, vector<256x1024xbf16>
    %get3A_17 = arith.constant 0 : index
    %get3A_18 = arith.constant 0 : index
    %get3A_19 = vector.load %arg5[%get3A_17, %get3A_18] : memref<256x64xbf16, #tpu.memory_space<vmem>>, vector<256x64xbf16>
    %dot_general3A_20 = arith.constant dense<0.000000e+00> : vector<1024x64xf32>
    %dot_general3A_21 = tpu.matmul %get3A_16, %get3A_19, %dot_general3A_20 {dimension_numbers = #tpu.dot_dimension_numbers<[0], [0], [1], [1], [0, 1, 1, 1], [], []>, transpose_lhs_hint = false} : vector<256x1024xbf16>, vector<256x64xbf16>, vector<1024x64xf32> -> vector<1024x64xf32>
    %eq3A = arith.constant 0 : i32
    %eq3A_22 = arith.cmpi eq, %arg0, %eq3A : i32
    %convert_element_type3A = arith.extui %eq3A_22 : i1 to i32
    %cond3A = arith.constant 0 : i32
    %cond3A_23 = arith.cmpi ne, %convert_element_type3A, %cond3A : i32
    scf.if %cond3A_23 {
      %swap3A = arith.constant 0 : index
      %swap3A_28 = arith.constant 0 : index
      %swap3A_29 = vector.load %arg6[%swap3A, %swap3A_28] : memref<1024x64xf32, #tpu.memory_space<vmem>>, vector<1024x64xf32>
      tpu.vector_store %arg6[%swap3A, %swap3A_28], %dot_general3A_5 {strides = array<i32>} : memref<1024x64xf32, #tpu.memory_space<vmem>>, vector<1024x64xf32>,
      %swap3A_30 = arith.constant 0 : index
      %swap3A_31 = arith.constant 0 : index
      %swap3A_32 = vector.load %arg7[%swap3A_30, %swap3A_31] : memref<1024x64xf32, #tpu.memory_space<vmem>>, vector<1024x64xf32>
      tpu.vector_store %arg7[%swap3A_30, %swap3A_31], %dot_general3A_13 {strides = array<i32>} : memref<1024x64xf32, #tpu.memory_space<vmem>>, vector<1024x64xf32>,
      %swap3A_33 = arith.constant 0 : index
      %swap3A_34 = arith.constant 0 : index
      %swap3A_35 = vector.load %arg8[%swap3A_33, %swap3A_34] : memref<1024x64xf32, #tpu.memory_space<vmem>>, vector<1024x64xf32>
      tpu.vector_store %arg8[%swap3A_33, %swap3A_34], %dot_general3A_21 {strides = array<i32>} : memref<1024x64xf32, #tpu.memory_space<vmem>>, vector<1024x64xf32>,
    } else {
    }
    %ne3A = arith.constant 0 : i32
    %ne3A_24 = arith.cmpi ne, %arg0, %ne3A : i32
    %convert_element_type3A_25 = arith.extui %ne3A_24 : i1 to i32
    %cond3A_26 = arith.constant 0 : i32
    %cond3A_27 = arith.cmpi ne, %convert_element_type3A_25, %cond3A_26 : i32
    scf.if %cond3A_27 {
      %get3A_28 = arith.constant 0 : index
      %get3A_29 = arith.constant 0 : index
      %get3A_30 = vector.load %arg6[%get3A_28, %get3A_29] : memref<1024x64xf32, #tpu.memory_space<vmem>>, vector<1024x64xf32>
      %add3A = arith.addf %get3A_30, %dot_general3A_5 : vector<1024x64xf32>
      %swap3A = arith.constant 0 : index
      %swap3A_31 = arith.constant 0 : index
      %swap3A_32 = vector.load %arg6[%swap3A, %swap3A_31] : memref<1024x64xf32, #tpu.memory_space<vmem>>, vector<1024x64xf32>
      tpu.vector_store %arg6[%swap3A, %swap3A_31], %add3A {strides = array<i32>} : memref<1024x64xf32, #tpu.memory_space<vmem>>, vector<1024x64xf32>,
      %get3A_33 = arith.constant 0 : index
      %get3A_34 = arith.constant 0 : index
      %get3A_35 = vector.load %arg7[%get3A_33, %get3A_34] : memref<1024x64xf32, #tpu.memory_space<vmem>>, vector<1024x64xf32>
      %add3A_36 = arith.addf %get3A_35, %dot_general3A_13 : vector<1024x64xf32>
      %swap3A_37 = arith.constant 0 : index
      %swap3A_38 = arith.constant 0 : index
      %swap3A_39 = vector.load %arg7[%swap3A_37, %swap3A_38] : memref<1024x64xf32, #tpu.memory_space<vmem>>, vector<1024x64xf32>
      tpu.vector_store %arg7[%swap3A_37, %swap3A_38], %add3A_36 {strides = array<i32>} : memref<1024x64xf32, #tpu.memory_space<vmem>>, vector<1024x64xf32>,
      %get3A_40 = arith.constant 0 : index
      %get3A_41 = arith.constant 0 : index
      %get3A_42 = vector.load %arg8[%get3A_40, %get3A_41] : memref<1024x64xf32, #tpu.memory_space<vmem>>, vector<1024x64xf32>
      %add3A_43 = arith.addf %get3A_42, %dot_general3A_21 : vector<1024x64xf32>
      %swap3A_44 = arith.constant 0 : index
      %swap3A_45 = arith.constant 0 : index
      %swap3A_46 = vector.load %arg8[%swap3A_44, %swap3A_45] : memref<1024x64xf32, #tpu.memory_space<vmem>>, vector<1024x64xf32>
      tpu.vector_store %arg8[%swap3A_44, %swap3A_45], %add3A_43 {strides = array<i32>} : memref<1024x64xf32, #tpu.memory_space<vmem>>, vector<1024x64xf32>,
    } else {
    }
    return
  }
  func.func @transform_0(%arg0: i32) -> (i32, i32) {
    %c0_i32 = arith.constant 0 : i32
    %c0_i32_0 = arith.constant 0 : i32
    return %c0_i32, %arg0 : i32, i32
  }
  func.func @transform_1(%arg0: i32) -> (i32, i32) {
    %c0_i32 = arith.constant 0 : i32
    %c0_i32_0 = arith.constant 0 : i32
    return %arg0, %c0_i32 : i32, i32
  }
  func.func @transform_2(%arg0: i32) -> (i32, i32) {
    %c4_i32 = arith.constant 4 : i32
    %c0_i32 = arith.constant 0 : i32
    return %arg0, %c4_i32 : i32, i32
  }
  func.func @transform_3(%arg0: i32) -> (i32, i32) {
    %c0_i32 = arith.constant 0 : i32
    %c0_i32_0 = arith.constant 0 : i32
    return %arg0, %c0_i32 : i32, i32
  }
  func.func @transform_4(%arg0: i32) -> (i32, i32) {
    %c0_i32 = arith.constant 0 : i32
    %c0_i32_0 = arith.constant 0 : i32
    return %arg0, %c0_i32 : i32, i32
  }
  func.func @transform_5(%arg0: i32) -> (i32, i32) {
    %c0_i32 = arith.constant 0 : i32
    %c0_i32_0 = arith.constant 0 : i32
    %c0_i32_1 = arith.constant 0 : i32
    return %c0_i32, %c0_i32_0 : i32, i32
  }
  func.func @transform_6(%arg0: i32) -> (i32, i32) {
    %c0_i32 = arith.constant 0 : i32
    %c0_i32_0 = arith.constant 0 : i32
    %c0_i32_1 = arith.constant 0 : i32
    return %c0_i32, %c0_i32_0 : i32, i32
  }
  func.func @transform_7(%arg0: i32) -> (i32, i32) {
    %c0_i32 = arith.constant 0 : i32
    %c0_i32_0 = arith.constant 0 : i32
    %c0_i32_1 = arith.constant 0 : i32
    return %c0_i32, %c0_i32_0 : i32, i32
  }
}

module attributes {stable_mosaic.version = 14 : i64} {
  func.func @body(%arg0: memref<1024x64xf32, #tpu.memory_space<vmem>>, %arg1: memref<1024x8xf32, #tpu.memory_space<vmem>>, %arg2: memref<1024x768xf32, #tpu.memory_space<vmem>>, %arg3: memref<8x64xf32, #tpu.memory_space<vmem>>, %arg4: memref<1x64xf32, #tpu.memory_space<vmem>>, %arg5: memref<64x64xf32, #tpu.memory_space<vmem>>, %arg6: memref<1x64xf32, #tpu.memory_space<vmem>>, %arg7: memref<64x64xf32, #tpu.memory_space<vmem>>, %arg8: memref<64x64xf32, #tpu.memory_space<vmem>>, %arg9: memref<768x64xf32, #tpu.memory_space<vmem>>, %arg10: memref<1x64xf32, #tpu.memory_space<vmem>>, %arg11: memref<64x2xf32, #tpu.memory_space<vmem>>, %arg12: memref<1x2xf32, #tpu.memory_space<vmem>>, %arg13: memref<1024x2xf32, #tpu.memory_space<vmem>>) attributes {dimension_semantics = [], scalar_prefetch = 0 : i64, scratch_operands = 0 : i64, tpu.core_type = #tpu.core_type<tc>} {
    %get3A = arith.constant 0 : index
    %get3A_0 = arith.constant 0 : index
    %get3A_1 = vector.load %arg1[%get3A, %get3A_0] : memref<1024x8xf32, #tpu.memory_space<vmem>>, vector<1024x8xf32>
    %get3A_2 = arith.constant 0 : index
    %get3A_3 = arith.constant 0 : index
    %get3A_4 = vector.load %arg3[%get3A_2, %get3A_3] : memref<8x64xf32, #tpu.memory_space<vmem>>, vector<8x64xf32>
    %dot_general3A = arith.constant dense<0.000000e+00> : vector<1024x64xf32>
    %dot_general3A_5 = tpu.matmul %get3A_1, %get3A_4, %dot_general3A {dimension_numbers = #tpu.dot_dimension_numbers<[1], [0], [0], [1], [0, 0, 1, 1], [], []>, transpose_lhs_hint = false} : vector<1024x8xf32>, vector<8x64xf32>, vector<1024x64xf32> -> vector<1024x64xf32>
    %get3A_6 = arith.constant 0 : index
    %get3A_7 = arith.constant 0 : index
    %get3A_8 = vector.load %arg4[%get3A_6, %get3A_7] : memref<1x64xf32, #tpu.memory_space<vmem>>, vector<1x64xf32>
    %add3A = vector.broadcast %get3A_8 : vector<1x64xf32> to vector<1024x64xf32>
    %add3A_9 = arith.addf %dot_general3A_5, %add3A : vector<1024x64xf32>
    %ge3A = arith.constant 0.000000e+00 : f32
    %ge3A_10 = vector.broadcast %ge3A : f32 to vector<1024x64xf32>
    %ge3A_11 = arith.cmpf oge, %add3A_9, %ge3A_10 : vector<1024x64xf32>
    %mul3A = arith.constant 0.00999999977 : f32
    %mul3A_12 = vector.broadcast %mul3A : f32 to vector<1024x64xf32>
    %mul3A_13 = arith.mulf %mul3A_12, %add3A_9 : vector<1024x64xf32>
    %select_n3A = arith.select %ge3A_11, %add3A_9, %mul3A_13 : vector<1024x64xi1>, vector<1024x64xf32>
    %get3A_14 = arith.constant 0 : index
    %get3A_15 = arith.constant 0 : index
    %get3A_16 = vector.load %arg5[%get3A_14, %get3A_15] : memref<64x64xf32, #tpu.memory_space<vmem>>, vector<64x64xf32>
    %dot_general3A_17 = arith.constant dense<0.000000e+00> : vector<1024x64xf32>
    %dot_general3A_18 = tpu.matmul %select_n3A, %get3A_16, %dot_general3A_17 {dimension_numbers = #tpu.dot_dimension_numbers<[1], [0], [0], [1], [0, 0, 1, 1], [], []>, transpose_lhs_hint = false} : vector<1024x64xf32>, vector<64x64xf32>, vector<1024x64xf32> -> vector<1024x64xf32>
    %get3A_19 = arith.constant 0 : index
    %get3A_20 = arith.constant 0 : index
    %get3A_21 = vector.load %arg6[%get3A_19, %get3A_20] : memref<1x64xf32, #tpu.memory_space<vmem>>, vector<1x64xf32>
    %add3A_22 = vector.broadcast %get3A_21 : vector<1x64xf32> to vector<1024x64xf32>
    %add3A_23 = arith.addf %dot_general3A_18, %add3A_22 : vector<1024x64xf32>
    %get3A_24 = arith.constant 0 : index
    %get3A_25 = arith.constant 0 : index
    %get3A_26 = vector.load %arg0[%get3A_24, %get3A_25] : memref<1024x64xf32, #tpu.memory_space<vmem>>, vector<1024x64xf32>
    %get3A_27 = arith.constant 0 : index
    %get3A_28 = arith.constant 0 : index
    %get3A_29 = vector.load %arg7[%get3A_27, %get3A_28] : memref<64x64xf32, #tpu.memory_space<vmem>>, vector<64x64xf32>
    %dot_general3A_30 = arith.constant dense<0.000000e+00> : vector<1024x64xf32>
    %dot_general3A_31 = tpu.matmul %get3A_26, %get3A_29, %dot_general3A_30 {dimension_numbers = #tpu.dot_dimension_numbers<[1], [0], [0], [1], [0, 0, 1, 1], [], []>, transpose_lhs_hint = false} : vector<1024x64xf32>, vector<64x64xf32>, vector<1024x64xf32> -> vector<1024x64xf32>
    %get3A_32 = arith.constant 0 : index
    %get3A_33 = arith.constant 0 : index
    %get3A_34 = vector.load %arg8[%get3A_32, %get3A_33] : memref<64x64xf32, #tpu.memory_space<vmem>>, vector<64x64xf32>
    %dot_general3A_35 = arith.constant dense<0.000000e+00> : vector<1024x64xf32>
    %dot_general3A_36 = tpu.matmul %add3A_23, %get3A_34, %dot_general3A_35 {dimension_numbers = #tpu.dot_dimension_numbers<[1], [0], [0], [1], [0, 0, 1, 1], [], []>, transpose_lhs_hint = false} : vector<1024x64xf32>, vector<64x64xf32>, vector<1024x64xf32> -> vector<1024x64xf32>
    %add3A_37 = arith.addf %dot_general3A_31, %dot_general3A_36 : vector<1024x64xf32>
    %get3A_38 = arith.constant 0 : index
    %get3A_39 = arith.constant 0 : index
    %get3A_40 = vector.load %arg2[%get3A_38, %get3A_39] : memref<1024x768xf32, #tpu.memory_space<vmem>>, vector<1024x768xf32>
    %get3A_41 = arith.constant 0 : index
    %get3A_42 = arith.constant 0 : index
    %get3A_43 = vector.load %arg9[%get3A_41, %get3A_42] : memref<768x64xf32, #tpu.memory_space<vmem>>, vector<768x64xf32>
    %dot_general3A_44 = arith.constant dense<0.000000e+00> : vector<1024x64xf32>
    %dot_general3A_45 = tpu.matmul %get3A_40, %get3A_43, %dot_general3A_44 {dimension_numbers = #tpu.dot_dimension_numbers<[1], [0], [0], [1], [0, 0, 1, 1], [], []>, transpose_lhs_hint = false} : vector<1024x768xf32>, vector<768x64xf32>, vector<1024x64xf32> -> vector<1024x64xf32>
    %add3A_46 = arith.addf %add3A_37, %dot_general3A_45 : vector<1024x64xf32>
    %get3A_47 = arith.constant 0 : index
    %get3A_48 = arith.constant 0 : index
    %get3A_49 = vector.load %arg10[%get3A_47, %get3A_48] : memref<1x64xf32, #tpu.memory_space<vmem>>, vector<1x64xf32>
    %add3A_50 = vector.broadcast %get3A_49 : vector<1x64xf32> to vector<1024x64xf32>
    %add3A_51 = arith.addf %add3A_46, %add3A_50 : vector<1024x64xf32>
    %ge3A_52 = arith.constant 0.000000e+00 : f32
    %ge3A_53 = vector.broadcast %ge3A_52 : f32 to vector<1024x64xf32>
    %ge3A_54 = arith.cmpf oge, %add3A_51, %ge3A_53 : vector<1024x64xf32>
    %mul3A_55 = arith.constant 0.00999999977 : f32
    %mul3A_56 = vector.broadcast %mul3A_55 : f32 to vector<1024x64xf32>
    %mul3A_57 = arith.mulf %mul3A_56, %add3A_51 : vector<1024x64xf32>
    %select_n3A_58 = arith.select %ge3A_54, %add3A_51, %mul3A_57 : vector<1024x64xi1>, vector<1024x64xf32>
    %get3A_59 = arith.constant 0 : index
    %get3A_60 = arith.constant 0 : index
    %get3A_61 = vector.load %arg11[%get3A_59, %get3A_60] : memref<64x2xf32, #tpu.memory_space<vmem>>, vector<64x2xf32>
    %dot_general3A_62 = arith.constant dense<0.000000e+00> : vector<1024x2xf32>
    %dot_general3A_63 = tpu.matmul %select_n3A_58, %get3A_61, %dot_general3A_62 {dimension_numbers = #tpu.dot_dimension_numbers<[1], [0], [0], [1], [0, 0, 1, 1], [], []>, transpose_lhs_hint = false} : vector<1024x64xf32>, vector<64x2xf32>, vector<1024x2xf32> -> vector<1024x2xf32>
    %get3A_64 = arith.constant 0 : index
    %get3A_65 = arith.constant 0 : index
    %get3A_66 = vector.load %arg12[%get3A_64, %get3A_65] : memref<1x2xf32, #tpu.memory_space<vmem>>, vector<1x2xf32>
    %add3A_67 = vector.broadcast %get3A_66 : vector<1x2xf32> to vector<1024x2xf32>
    %add3A_68 = arith.addf %dot_general3A_63, %add3A_67 : vector<1024x2xf32>
    %ge3A_69 = arith.constant 0.000000e+00 : f32
    %ge3A_70 = vector.broadcast %ge3A_69 : f32 to vector<1024x2xf32>
    %ge3A_71 = arith.cmpf oge, %add3A_68, %ge3A_70 : vector<1024x2xf32>
    %mul3A_72 = arith.constant 0.00999999977 : f32
    %mul3A_73 = vector.broadcast %mul3A_72 : f32 to vector<1024x2xf32>
    %mul3A_74 = arith.mulf %mul3A_73, %add3A_68 : vector<1024x2xf32>
    %select_n3A_75 = arith.select %ge3A_71, %add3A_68, %mul3A_74 : vector<1024x2xi1>, vector<1024x2xf32>
    %reduce_max3A = arith.constant dense<0xFF800000> : vector<1024xf32>
    %reduce_max3A_76 = vector.multi_reduction <maximumf>, %select_n3A_75, %reduce_max3A [1] : vector<1024x2xf32> to vector<1024xf32>
    %broadcast_in_dim3A = vector.shape_cast %reduce_max3A_76 : vector<1024xf32> to vector<1024x1xf32>
    %sub3A = vector.broadcast %broadcast_in_dim3A : vector<1024x1xf32> to vector<1024x2xf32>
    %sub3A_77 = arith.subf %select_n3A_75, %sub3A : vector<1024x2xf32>
    %exp3A = math.exp %sub3A_77 : vector<1024x2xf32>
    %reduce_sum3A = arith.constant dense<0.000000e+00> : vector<1024xf32>
    %reduce_sum3A_78 = vector.multi_reduction <add>, %exp3A, %reduce_sum3A [1] : vector<1024x2xf32> to vector<1024xf32>
    %broadcast_in_dim3A_79 = vector.shape_cast %reduce_sum3A_78 : vector<1024xf32> to vector<1024x1xf32>
    %div3A = vector.broadcast %broadcast_in_dim3A_79 : vector<1024x1xf32> to vector<1024x2xf32>
    %div3A_80 = arith.divf %exp3A, %div3A : vector<1024x2xf32>
    %swap3A = arith.constant 0 : index
    %swap3A_81 = arith.constant 0 : index
    %swap3A_82 = vector.load %arg13[%swap3A, %swap3A_81] : memref<1024x2xf32, #tpu.memory_space<vmem>>, vector<1024x2xf32>
    tpu.vector_store %arg13[%swap3A, %swap3A_81], %div3A_80 {strides = array<i32>} : memref<1024x2xf32, #tpu.memory_space<vmem>>, vector<1024x2xf32>,
    return
  }
}

</mosaic_0001>

<sc_bundles>
// kernel: sparse-core-data-format-call.cloned.1.call-start
scs
called_computation_lowered:
.L_overlay_start_0:
0x0: {  	s1 =	sld [smem:$0x3FD9]  }
0x1: {  	s2 =	sld [smem:$0x3FFE];
	_ =	sdelay $0x1  }
0x2: {  	s3 =	srdreg.scid  }
0x3: {  	s0 =	sand.u32 $0x1, s3  }
0x4: {  	s17 =	sshll.u32 s0, $0xA;
	s1 =	sadd.s32 s2, s1  }
0x5: {  	s1 =	sadd.s32 s1, s17  }
0x6: {  	[smem:$0x3FB8] =	sst s1  }
0x7: {  	_ = 	snop  }
0x8: {  	(tm) =	ssettm $0x1  }
0x9: {  	s18 =	sld [smem:$0x3FFB];
	_ =	sdelay $0x3  }
0xa: {  	_ =	strace s18  }
0xb: {  	s1 =	sld [smem:$0x3FFC];
	_ =	sdelay $0x3  }
0xc: {  	_ =	strace s1  }
0xd: {  	s1 =	sld [smem:$0x3FFD];
	_ =	sdelay $0x3  }
0xe: {  	_ =	strace s1  }
0xf: {  	_ =	strace $0x8FFFFFFF  }
0x10: {  	s19 =	sld [smem:$0x3FDB];
	_ =	sdelay $0x1  }
0x11: {  	s20 =	simm.s32 $_scs_section_size  }
0x12: {  	s4 =	simm.s32 $_size__tile_overlayer_lowered;
	s5 =	simm.s32 $_tile_overlayer_lowered  }
0x13: {  	s23 =	simm.s32 $0x1BFF;
	s22 =	sshll.u32 s5, $0x1;
	s1 =	sadd.s32 s20, s19  }
0x14: {  	s6 =	simm.s32 $0x0;
	s21 =	sshll.u32 s4, $0x1;
	s4 =	sadd.s32 s22, s1  }
0x15: {  	[timem:s6], [sflag:s23] =	dma.local [hbm:s4], s21  }
0x16: {  	_ =	swait.ge [sflag:s23], s21  }
0x17: {  	s2 =	ssub.s32 $0x0, s21;
	[sflag:s23] =	ssyncset.done $0x0  }
0x18: {  	[sflag:s23] =	ssyncadd.s32 s2;
	_ =	sdelay $0x1  }
0x19: {  	s24 =	simm.s32 $0x1B8B  }
0x1a: {  	_ =	swait.ge [sflag:s24], $0x1  }
0x1b: {  	[sflag:s24] =	ssyncset.done $0x0  }
0x1c: {  	s26 =	simm.s32 $0x1B8E;
	s25 =	sld [smem:$0x3FFE];
	[sflag:s24] =	ssyncadd.s32 $0xFFFFFFFF  }
0x1d: {  	s27 =	simm.s32 $execute0_lowered;
	[smem:$0x3FD2] =	sst s26  }
0x1e: {  	s4 =	sshll.u32 s27, $0x1;
	_ =	strace $0x80000046;
	[dreg:$0x1] =	wrdreg $0xFFFFFFFF  }
0x1f: {  	s28 =	simm.s32 $_size_execute0_lowered;
	s1 =	sadd.s32 s1, s4;
	[dreg:$0x0] =	wrdreg $0x0  }
0x20: {  	s4 =	sshll.u32 s28, $0x1;
	[dreg:$0x2] =	wrdreg s1  }
0x21: {  	[dreg:$0x3] =	wrdreg s4  }
0x22: {  	[dreg:$0x4] =	wrdreg $0xC0  }
0x23: {  	_ =	task [dreg:s6], $0x5FFFF  }
0x24: {  	[dreg:$0x1] =	wrdreg $0xFFFFFFFF  }
0x25: {  	[dreg:$0x0] =	wrdreg $0x60  }
0x26: {  	[dreg:$0x2] =	wrdreg s25  }
0x27: {  	[dreg:$0x3] =	wrdreg $0x9  }
0x28: {  	_ =	task.clear_ibuf [dreg:s6], $0x4FFFF;
	_ =	strace $0x90000046  }
0x29: {  	s29 =	simm.s32 $0x9;
	_ =	strace $0x80000048  }
0x2a: {  	_ =	swait.ge [sflag:s29], $0x1  }
0x2b: {  	[sflag:s29] =	ssyncadd.s32 $0xFFFFFFFF  }
0x2c: {  	_ =	strace $0x90000048  }
0x2d: {  	_ =	sfence  }
0x2e: {  	s30 =	sld [smem:$0x0];
	_ =	sdelay $0x2  }
0x2f: {  	s31 =	sshll.u32 s3, $0xD;
	s3 =	sshrl.u32 s3, $0x2  }
0x30: {  	s2 =	sand.u32 $0x4000, s31;
	s1 =	sadd.s32 s3, s30  }
0x31: {  	s0 =	sor.u32 s2, s0;
	s1 =	sshll.u32 s1, $0x11  }
0x32: {  	s0 =	sor.u32 s1, s0  }
0x33: {  	s0 =	sadd.s32 $0x8F2B, s0  }
0x34: {  	[sflag:s0] =	ssyncadd.remote.s32 $0x1  }
0x35: {  	_ =	sfence.sel $0xFFFF  }
0x36: {  	[dreg:$0x0] =	wrdreg $0xFFFFFFFF;
	(pc) =	sbr.abs _section_cstart, $3  }
0x37: {  	[dreg:$0x1] =	wrdreg $0xFFFFFFFF  }
0x38: {  	_ =	task.clear_ibuf [dreg:s6], $0x2FFFF;
	_ =	strace $0x9FFFFFFF  }
0x39: {  	(tm) =	ssettm $0x7FFFFFFF  }
tec
execute0_lowered:
.L_overlay_start_1:
0x0: {  	(tag) =	ssettag $0x1  }
0x1: {  	s4 =	rddreg [dreg:$0x0]  }
0x2: {  	_ =	strace $0x80000047;
	s3 =	srdreg.scid;
	s0 =	stileid.u32  }
0x3: {  	s1 =	simm.s32 $0x1;
	s6 =	simm.s32 $0x2;
	s12 =	simm.s32 $0x0  }
0x4: {  	s13 =	simm.s32 $0x0;
	s15 =	simm.s32 $0x0;
	s14 =	simm.s32 $0x0  }
.Ltmp0:
0x5: {  	s8 =	simm.s32 $0x0;
	s9 =	simm.s32 $0x0;
	(pc) =	sbr.rel .LBB1_1-.Ltmp0, $4  }
0x6: {  	s10 =	simm.s32 $0x0;
	s7 =	simm.s32 $0x0;
	s5 =	sshll.u32 s3, $0x4  }
0x7: {  	s21 =	sadd.s32 $0x3800, s4;
	s31 =	sadd.s32 $0x203800, s4;
	s5 =	sand.u32 $0x10, s5  }
0x8: {  	[sflag:s1] =	ssyncpa.u1 $0x0;
	[dreg:$0x3] =	wrdreg s31;
	s5 =	sor.u32 s0, s5  }
0x9: {  	[sflag:s6] =	ssyncpa.u1 $0x0;
	s11 =	smov.u32 s5;
	[dreg:$0x4] =	wrdreg s5  }
.LBB1_7:
0xa: {  	s0 =	sadd.s32 $0x800, s8  }
0xb: {  	s1 =	sadd.s32 $0x2, s9;
	s2 =	smov.u32 s9;
	p1 =	sgt.s32 s0, $0xFFF  }
0xc: {  	s2 =	smov.u32 @p1 s1  }
0xd: {  	s3 =	smov.u32 s10;
	s1 =	sadd.s32 $0x8, s10;
	p2 =	sgt.s32 s2, $0x1  }
0xe: {  	s3 =	smov.u32 @p2 s1  }
0xf: {  	s4 =	smov.u32 s11;
	s1 =	sadd.s32 $0x20, s11;
	p3 =	sgt.s32 s3, $0x7  }
0x10: {  	p0 =	slt.u32 s7, $0x2;
	s4 =	smov.u32 @p3 s1  }
0x11: {  	s7 =	sadd.s32 $0x1, s7;
	s0 =	simm.s32 @p1 $0x0;
	p1 =	sgt.s32 s4, $0x1FF  }
0x12: {  	s4 =	smov.u32 @p1 s5;
	p1 =	sne.s32 s7, $0x22  }
.Ltmp1:
0x13: {  	s12 =	smov.u32 s8;
	s13 =	smov.u32 s9;
	(pc) =	sbr.rel @!p1 .LBB1_8-.Ltmp1, $4  }
0x14: {  	s15 =	smov.u32 s10;
	s14 =	smov.u32 s11;
	s1 =	simm.s32 @!p0 $0x2  }
0x15: {  	s8 =	smov.u32 s0;
	s2 =	simm.s32 @p2 $0x0;
	_ =	swait.ge @!p0 [sflag:s1], $0x4000  }
0x16: {  	s9 =	smov.u32 s2;
	s3 =	simm.s32 @p3 $0x0;
	[sflag:s1] =	ssyncset.done @!p0 $0x0  }
0x17: {  	s10 =	smov.u32 s3;
	[sflag:s1] =	ssyncadd.s32 @!p0 $0xFFFFC000;
	s11 =	smov.u32 s4  }
.LBB1_1:
0x18: {  	p0 =	sgt.u32 s7, $0x1F  }
0x19: {  	s16 =	sshll.u32 @!p0 s11, $0xC  }
0x1a: {  	s17 =	sshll.u32 @!p0 s10, $0x9;
	s18 =	sshrl.u32 @!p0 s8, $0x3;
	s16 =	sadd.s32 @!p0 s21, s16  }
0x1b: {  	s19 =	sxor.u32 @!p0 $0xFFFFFFFF, s7;
	s20 =	sand.u32 @!p0 $0x100, s18;
	s16 =	sadd.s32 @!p0 s17, s16  }
0x1c: {  	s17 =	sand.u32 @!p0 $0xFF, s18;
	s18 =	sand.u32 @!p0 $0x7, s8;
	s16 =	sadd.s32 @!p0 s20, s16  }
0x1d: {  	s18 =	sshll.u32 @!p0 s18, $0x12;
	s16 =	sadd.s32 @!p0 s17, s16;
	s17 =	sshll.u32 @!p0 s19, $0xE  }
0x1e: {  	s18 =	sor.u32 @!p0 $0x800, s18;
	s19 =	simm.s32 @!p0 $0x1000;
	s17 =	sand.u32 @!p0 $0x4000, s17  }
0x1f: {  	[tilespmem:s17], [sflag:$0x1] =	stream.strided.gather @!p0 [hbm4b:s16+s18], $0x4000, s19, s18, $0x38;
	[tilespmem:$0x10000] =	vst v63  }
0x20: {  	p0 =	seq.s32 s7, $0x0  }
0x21: {  	p1 =	seq.s32 @!p0 s7, $0x21  }
0x22: {  	p0 =	por p0, p1  }
.Ltmp2:
0x23: {  	_ = 	snop;
	(pc) =	sbr.rel @p0 .LBB1_7-.Ltmp2, $1  }
0x24: {  	_ =	sdelay $0x3  }
0x25: {  	s0 =	simm.s32 $0x1  }
0x26: {  	s5 =	smov.u32 s21;
	s16 =	sshll.u32 s7, $0xE;
	_ =	swait.ge [sflag:s0], $0x4000  }
0x27: {  	s18 =	simm.s32 $0x0;
	s17 =	sand.u32 $0x4000, s16;
	[sflag:s0] =	ssyncset.done $0x0  }
0x28: {  	s19 =	simm.s32 $0x0;
	s16 =	sor.u32 $0x8000, s17;
	[sflag:s0] =	ssyncadd.s32 $0xFFFFC000  }
.LBB1_3:
0x29: {  	s20 =	sshll.u32 s19, $0xB  }
0x2a: {  	s20 =	sand.u32 $0x3FFFF800, s20  }
0x2b: {  	s20 =	sadd.s32 s20, s17  }
0x2c: {  	s1 =	simm.s32 $0x0;
	s21 =	sadd.s32 $0x800, s20  }
0x2d: {  	s24 =	sand.u32 $0x400, s1;
	[dreg:$0x2] =	wrdreg s21;
	s21 =	sand.u32 $0x380, s1  }
0x2e: {  	s22 =	sadd.s32 s24, s20;
	s23 =	rddreg [dreg:$0x2];
	s25 =	sor.u32 $0x70, s21  }
0x2f: {  	s23 =	sadd.s32 s24, s23;
	s2 =	sadd.s32 s25, s22  }
0x30: {  	v1 =	vld [tilespmem:s2+$0x0];
	s3 =	sadd.s32 s25, s23  }
0x31: {  	s4 =	sor.u32 $0x10, s21;
	s26 =	sadd.s32 s21, s23;
	v2 =	vld [tilespmem:s3+$0x0]  }
0x32: {  	s6 =	sor.u32 $0x20, s21;
	s30 =	sadd.s32 s4, s23;
	v3 =	vld [tilespmem:s26+$0x0]  }
0x33: {  	s27 =	sor.u32 $0x30, s21;
	s28 =	sadd.s32 s6, s23;
	v4 =	vld [tilespmem:s30+$0x0]  }
0x34: {  	s29 =	sadd.s32 s27, s23;
	v5 =	vld [tilespmem:s28+$0x0]  }
0x35: {  	s25 =	sadd.s32 s4, s22;
	s26 =	sor.u32 $0x40, s21;
	v6 =	vld [tilespmem:s29+$0x0]  }
0x36: {  	s28 =	sshll.u32 s19, $0x8;
	s30 =	sor.u32 $0x50, s21;
	v16 =	vld [tilespmem:s25+$0x0];
	s31 =	sadd.s32 s26, s23  }
0x37: {  	s2 =	sand.u32 $0x400, s18;
	s28 =	sshrl.u32 s28, $0x2;
	s0 =	sadd.s32 s30, s23;
	v7 =	vld [tilespmem:s31+$0x0]  }
0x38: {  	s4 =	sshrl.u32 s2, $0x1;
	s2 =	sadd.s32 s30, s22;
	v0 =	vmov s28;
	v9 =	vld [tilespmem:s0+$0x0];
	v8 =	vunpack.i.l.s16.s32 v1  }
0x39: {  	s31 =	sadd.s32 s21, s22;
	v21 =	vld [tilespmem:s2+$0x0];
	v1 =	vunpack.i.u.s16.s32 v1;
	v10 =	vunpack.i.u.s16.s32 v2;
	v11 =	vunpack.i.l.s16.s32 v2  }
0x3a: {  	s1 =	sand.u32 $0x3800, s18;
	s6 =	sadd.s32 s6, s22;
	s29 =	sor.u32 $0x60, s21;
	v13 =	vld [tilespmem:s31+$0x0];
	v12 =	vunpack.i.u.s16.s32 v3;
	v3 =	vunpack.i.l.s16.s32 v3;
	v14 =	vunpack.i.u.s16.s32 v4  }
0x3b: {  	s23 =	sadd.s32 s29, s23;
	s21 =	sshrl.u32 s1, $0x1;
	s1 =	sadd.s32 s26, s22;
	v4 =	vunpack.i.l.s16.s32 v4;
	v15 =	vunpack.i.u.s16.s32 v5;
	v5 =	vunpack.i.l.s16.s32 v5  }
0x3c: {  	s3 =	sadd.s32 s21, s16;
	s31 =	sadd.s32 s27, s22;
	s21 =	simm.s32 $0x80;
	v2 =	vld [tilespmem:s23+$0x0];
	v17 =	vunpack.i.u.s16.s32 v6;
	v6 =	vunpack.i.l.s16.s32 v6;
	v10 =	vpack.i.b32.b16 v10, v1  }
0x3d: {  	v18 =	vld [tilespmem:s6+$0x0];
	s27 =	rddreg [dreg:$0x2];
	s28 =	sand.u32 $0x400, s21;
	s26 =	sand.u32 $0x380, s21;
	v8 =	vpack.i.b32.b16 v11, v8;
	v11 =	vunpack.i.u.s16.s32 v16;
	v20 =	vunpack.i.u.s16.s32 v7  }
0x3e: {  	s24 =	sadd.s32 s4, s3;
	v19 =	vld [tilespmem:s31+$0x0];
	s25 =	sadd.s32 s28, s20;
	s3 =	sor.u32 $0x70, s26;
	v7 =	vunpack.i.l.s16.s32 v7;
	v23 =	vunpack.i.u.s16.s32 v9;
	v24 =	vunpack.i.l.s16.s32 v9  }
0x3f: {  	s0 =	sadd.s32 s28, s27;
	s27 =	sadd.s32 s3, s25;
	v9 =	vld [tilespmem:s1+$0x0];
	[tilespmem:v0+s24+$0x2070 ss:$0x1] =	vst.idx.msk $0xffff, v10;
	v27 =	vunpack.i.u.s16.s32 v21;
	v10 =	vunpack.i.u.s16.s32 v13;
	v13 =	vunpack.i.l.s16.s32 v13  }
0x40: {  	s22 =	sadd.s32 s29, s22;
	v28 =	vunpack.i.l.s16.s32 v21;
	[tilespmem:v0+s24+$0x70 ss:$0x1] =	vst.idx.msk $0xffff, v8;
	v8 =	vld [tilespmem:s27+$0x0];
	v23 =	vpack.i.b32.b16 v23, v27;
	v3 =	vpack.i.b32.b16 v3, v13  }
0x41: {  	s4 =	sadd.s32 s3, s0;
	v13 =	vunpack.i.l.s16.s32 v16;
	v16 =	vld [tilespmem:s22+$0x0];
	v1 =	vunpack.i.u.s16.s32 v2;
	[tilespmem:v0+s24+$0x0 ss:$0x1] =	vst.idx.msk $0xffff, v3;
	v3 =	vpack.i.b32.b16 v12, v10  }
0x42: {  	s29 =	sor.u32 $0x10, s26;
	s30 =	sor.u32 $0x30, s26;
	s6 =	sadd.s32 s26, s0;
	v10 =	vunpack.i.u.s16.s32 v18;
	v12 =	vunpack.i.l.s16.s32 v18;
	v18 =	vld [tilespmem:s4+$0x0];
	[tilespmem:v0+s24+$0x2000 ss:$0x1] =	vst.idx.msk $0xffff, v3;
	v3 =	vpack.i.b32.b16 v4, v13  }
0x43: {  	s28 =	sor.u32 $0x40, s26;
	s23 =	sadd.s32 s29, s0;
	v22 =	vld [tilespmem:s6+$0x0];
	s27 =	sor.u32 $0x20, s26;
	v2 =	vunpack.i.l.s16.s32 v2;
	v4 =	vunpack.i.u.s16.s32 v19;
	[tilespmem:v0+s24+$0x10 ss:$0x1] =	vst.idx.msk $0xffff, v3;
	v3 =	vpack.i.b32.b16 v14, v11  }
0x44: {  	s31 =	sor.u32 $0x50, s26;
	s1 =	sadd.s32 s27, s0;
	v13 =	vunpack.i.l.s16.s32 v19;
	v25 =	vunpack.i.u.s16.s32 v9;
	v14 =	vld [tilespmem:s23+$0x0];
	s23 =	simm.s32 $0x400;
	[tilespmem:v0+s24+$0x2010 ss:$0x1] =	vst.idx.msk $0xffff, v3;
	v3 =	vpack.i.b32.b16 v5, v12  }
0x45: {  	s2 =	sadd.s32 s30, s0;
	s6 =	sor.u32 $0x60, s26;
	v26 =	vunpack.i.l.s16.s32 v9;
	v4 =	vpack.i.b32.b16 v17, v4;
	s4 =	sand.u32 $0x3800, s23;
	v5 =	vld [tilespmem:s1+$0x0];
	[tilespmem:v0+s24+$0x20 ss:$0x1] =	vst.idx.msk $0xffff, v3;
	v3 =	vpack.i.b32.b16 v15, v10  }
0x46: {  	s1 =	sadd.s32 s28, s0;
	s3 =	sand.u32 $0x400, s23;
	v11 =	vunpack.i.l.s16.s32 v8;
	v9 =	vunpack.i.u.s16.s32 v16;
	s4 =	sshrl.u32 s4, $0x1;
	v10 =	vld [tilespmem:s2+$0x0];
	[tilespmem:v0+s24+$0x2020 ss:$0x1] =	vst.idx.msk $0xffff, v3;
	v3 =	vpack.i.b32.b16 v6, v13  }
0x47: {  	v15 =	vunpack.i.l.s16.s32 v16;
	s2 =	sadd.s32 s31, s0;
	s3 =	sshrl.u32 s3, $0x1;
	v29 =	vld [tilespmem:s1+$0x0];
	s4 =	sadd.s32 s4, s16;
	v6 =	vunpack.i.u.s16.s32 v8;
	v8 =	vunpack.i.u.s16.s32 v18;
	[tilespmem:v0+s24+$0x30 ss:$0x1] =	vst.idx.msk $0xffff, v3  }
0x48: {  	s0 =	sadd.s32 s6, s0;
	v19 =	vunpack.i.l.s16.s32 v18;
	v13 =	vunpack.i.u.s16.s32 v22;
	v17 =	vld [tilespmem:s2+$0x0];
	s22 =	sadd.s32 s3, s4;
	v3 =	vpack.i.b32.b16 v8, v6;
	[tilespmem:v0+s24+$0x2030 ss:$0x1] =	vst.idx.msk $0xffff, v4  }
0x49: {  	v18 =	vunpack.i.l.s16.s32 v22;
	v16 =	vld [tilespmem:s0+$0x0];
	s3 =	sadd.s32 s26, s25;
	v8 =	vunpack.i.u.s16.s32 v14;
	[tilespmem:v0+s22+$0x2070 ss:$0x1] =	vst.idx.msk $0xffff, v3;
	v3 =	vpack.i.b32.b16 v7, v26  }
0x4a: {  	s4 =	sadd.s32 s29, s25;
	v22 =	vld [tilespmem:s3+$0x0];
	v6 =	vunpack.i.u.s16.s32 v5;
	v12 =	vunpack.i.l.s16.s32 v5;
	[tilespmem:v0+s24+$0x40 ss:$0x1] =	vst.idx.msk $0xffff, v3;
	v3 =	vpack.i.b32.b16 v20, v25  }
0x4b: {  	s28 =	sadd.s32 s28, s25;
	s26 =	sadd.s32 s27, s25;
	v21 =	vld [tilespmem:s4+$0x0];
	v5 =	vunpack.i.u.s16.s32 v10;
	v7 =	vunpack.i.l.s16.s32 v10;
	[tilespmem:v0+s24+$0x2040 ss:$0x1] =	vst.idx.msk $0xffff, v3;
	v10 =	vpack.i.b32.b16 v24, v28  }
0x4c: {  	s29 =	sadd.s32 s30, s25;
	s27 =	sadd.s32 s31, s25;
	s25 =	sadd.s32 s6, s25;
	v14 =	vunpack.i.l.s16.s32 v14;
	v20 =	vld [tilespmem:s26+$0x0];
	v3 =	vunpack.i.u.s16.s32 v29;
	v4 =	vunpack.i.l.s16.s32 v29;
	[tilespmem:v0+s24+$0x50 ss:$0x1] =	vst.idx.msk $0xffff, v10  }
.LBB1_4:
0x4d: {  	v15 =	vpack.i.b32.b16 v2, v15  }
0x4e: {  	v9 =	vpack.i.b32.b16 v1, v9;
	[tilespmem:v0+s24+$0x60 ss:$0x1] =	vst.idx.msk $0xffff, v15  }
0x4f: {  	s21 =	sadd.s32 $0x80, s21;
	v24 =	vld [tilespmem:s29+$0x0];
	[tilespmem:v0+s24+$0x2060 ss:$0x1] =	vst.idx.msk $0xffff, v9  }
0x50: {  	v11 =	vpack.i.b32.b16 v19, v11;
	s1 =	sand.u32 $0x400, s21;
	s2 =	sand.u32 $0x380, s21;
	v19 =	vld [tilespmem:s25+$0x0]  }
0x51: {  	s0 =	rddreg [dreg:$0x2];
	[tilespmem:v0+s24+$0x2050 ss:$0x1] =	vst.idx.msk $0xffff, v23;
	s26 =	sadd.s32 s1, s20;
	s4 =	sor.u32 $0x70, s2;
	v10 =	vunpack.i.u.s16.s32 v17;
	v25 =	vunpack.i.l.s16.s32 v17;
	v17 =	vld [tilespmem:s28+$0x0];
	v2 =	vunpack.i.l.s16.s32 v16  }
0x52: {  	[tilespmem:v0+s22+$0x70 ss:$0x1] =	vst.idx.msk $0xffff, v11;
	s0 =	sadd.s32 s1, s0;
	s24 =	sor.u32 $0x30, s2;
	s6 =	sadd.s32 s4, s26;
	v1 =	vunpack.i.u.s16.s32 v16;
	v15 =	vunpack.i.u.s16.s32 v22;
	v16 =	vunpack.i.l.s16.s32 v22;
	v22 =	vld [tilespmem:s27+$0x0]  }
0x53: {  	s28 =	sadd.s32 s24, s0;
	v9 =	vpack.i.b32.b16 v18, v16;
	v16 =	vunpack.i.u.s16.s32 v21;
	v18 =	vunpack.i.l.s16.s32 v21;
	v21 =	vld [tilespmem:s6+$0x0]  }
0x54: {  	s25 =	sor.u32 $0x40, s2;
	s4 =	sadd.s32 s4, s0;
	v11 =	vunpack.i.u.s16.s32 v20;
	v29 =	vld [tilespmem:s28+$0x0]  }
0x55: {  	v6 =	vpack.i.b32.b16 v6, v11;
	[tilespmem:v0+s22+$0x0 ss:$0x1] =	vst.idx.msk $0xffff, v9;
	v9 =	vpack.i.b32.b16 v13, v15;
	v13 =	vunpack.i.l.s16.s32 v20;
	v20 =	vld [tilespmem:s4+$0x0];
	s4 =	sadd.s32 s25, s0  }
0x56: {  	s3 =	sor.u32 $0x10, s2;
	s31 =	sadd.s32 s2, s0;
	v8 =	vpack.i.b32.b16 v8, v16;
	[tilespmem:v0+s22+$0x2000 ss:$0x1] =	vst.idx.msk $0xffff, v9;
	v9 =	vpack.i.b32.b16 v14, v18;
	v30 =	vld [tilespmem:s4+$0x0]  }
0x57: {  	s1 =	sor.u32 $0x20, s2;
	v14 =	vunpack.i.u.s16.s32 v24;
	v18 =	vunpack.i.l.s16.s32 v24;
	v15 =	vunpack.i.l.s16.s32 v19;
	v23 =	vld [tilespmem:s31+$0x0];
	s31 =	sadd.s32 s3, s0;
	[tilespmem:v0+s22+$0x10 ss:$0x1] =	vst.idx.msk $0xffff, v9  }
0x58: {  	s23 =	sadd.s32 $0x400, s23;
	s6 =	sadd.s32 s1, s0;
	v9 =	vunpack.i.u.s16.s32 v19;
	v5 =	vpack.i.b32.b16 v5, v14;
	v63 =	vunpack.i.u.s16.s32 v17;
	v16 =	vld [tilespmem:s31+$0x0];
	[tilespmem:v0+s22+$0x2010 ss:$0x1] =	vst.idx.msk $0xffff, v8  }
0x59: {  	p0 =	slt.u32 s21, $0x780;
	s29 =	sand.u32 $0x3800, s23;
	s30 =	sor.u32 $0x60, s2;
	v26 =	vunpack.i.l.s16.s32 v17;
	v8 =	vpack.i.b32.b16 v12, v13;
	v27 =	vunpack.i.u.s16.s32 v22;
	v12 =	vld [tilespmem:s6+$0x0];
	[tilespmem:v0+s22+$0x2020 ss:$0x1] =	vst.idx.msk $0xffff, v6  }
0x5a: {  	s29 =	sshrl.u32 s29, $0x1;
	s27 =	sor.u32 $0x50, s2;
	s2 =	sadd.s32 s2, s26;
	v28 =	vunpack.i.l.s16.s32 v22;
	v6 =	vpack.i.b32.b16 v7, v18;
	[tilespmem:v0+s22+$0x2030 ss:$0x1] =	vst.idx.msk $0xffff, v5;
	v11 =	vunpack.i.l.s16.s32 v21  }
0x5b: {  	s28 =	sadd.s32 s29, s16;
	s29 =	sadd.s32 s24, s26;
	s24 =	smov.u32 s22;
	[tilespmem:v0+s22+$0x20 ss:$0x1] =	vst.idx.msk $0xffff, v8;
	v7 =	vunpack.i.u.s16.s32 v21;
	v4 =	vpack.i.b32.b16 v4, v26;
	v3 =	vpack.i.b32.b16 v3, v63  }
.Ltmp3:
0x5c: {  	s31 =	sadd.s32 s27, s0;
	s6 =	sand.u32 $0x400, s23;
	v22 =	vld [tilespmem:s2+$0x0];
	[tilespmem:v0+s22+$0x30 ss:$0x1] =	vst.idx.msk $0xffff, v6;
	v5 =	vunpack.i.u.s16.s32 v29;
	v8 =	vunpack.i.u.s16.s32 v20;
	v19 =	vunpack.i.l.s16.s32 v20;
	(pc) =	sbr.rel @p0 .LBB1_4-.Ltmp3, $4  }
0x5d: {  	s3 =	sadd.s32 s3, s26;
	s6 =	sshrl.u32 s6, $0x1;
	v17 =	vld [tilespmem:s31+$0x0];
	[tilespmem:v0+s24+$0x2040 ss:$0x1] =	vst.idx.msk $0xffff, v3;
	v6 =	vpack.i.b32.b16 v8, v7;
	v7 =	vunpack.i.l.s16.s32 v29;
	v3 =	vunpack.i.u.s16.s32 v30  }
0x5e: {  	s1 =	sadd.s32 s1, s26;
	v21 =	vld [tilespmem:s3+$0x0];
	s6 =	sadd.s32 s6, s28;
	[tilespmem:v0+s24+$0x40 ss:$0x1] =	vst.idx.msk $0xffff, v4;
	v4 =	vunpack.i.l.s16.s32 v30;
	v13 =	vunpack.i.u.s16.s32 v23;
	v18 =	vunpack.i.l.s16.s32 v23  }
0x5f: {  	s0 =	sadd.s32 s30, s0;
	s27 =	sadd.s32 s27, s26;
	v20 =	vld [tilespmem:s1+$0x0];
	[tilespmem:v0+s6+$0x2070 ss:$0x1] =	vst.idx.msk $0xffff, v6;
	v23 =	vpack.i.b32.b16 v25, v28;
	v8 =	vunpack.i.u.s16.s32 v16;
	v14 =	vunpack.i.l.s16.s32 v16  }
0x60: {  	s28 =	sadd.s32 s25, s26;
	s25 =	sadd.s32 s30, s26;
	s22 =	smov.u32 s6;
	v16 =	vld [tilespmem:s0+$0x0];
	v6 =	vunpack.i.u.s16.s32 v12;
	v12 =	vunpack.i.l.s16.s32 v12;
	[tilespmem:v0+s24+$0x50 ss:$0x1] =	vst.idx.msk $0xffff, v23;
	v23 =	vpack.i.b32.b16 v10, v27  }
0x61: {  	_ =	sdelay $0x3  }
0x62: {  	[tilespmem:v0+s24+$0x2050 ss:$0x1] =	vst.idx.msk $0xffff, v23;
	v2 =	vpack.i.b32.b16 v2, v15  }
0x63: {  	v32 =	vpack.i.b32.b16 v19, v11;
	[tilespmem:v0+s24+$0x60 ss:$0x1] =	vst.idx.msk $0xffff, v2  }
0x64: {  	v1 =	vpack.i.b32.b16 v1, v9;
	v31 =	vunpack.i.l.s16.s32 v22;
	[tilespmem:v0+s22+$0x70 ss:$0x1] =	vst.idx.msk $0xffff, v32  }
0x65: {  	v33 =	vld [tilespmem:s29+$0x0];
	v10 =	vunpack.i.u.s16.s32 v22;
	v2 =	vpack.i.b32.b16 v18, v31;
	[tilespmem:v0+s24+$0x2060 ss:$0x1] =	vst.idx.msk $0xffff, v1  }
0x66: {  	v36 =	vld [tilespmem:s28+$0x0];
	v35 =	vpack.i.b32.b16 v13, v10;
	v34 =	vunpack.i.l.s16.s32 v21;
	[tilespmem:v0+s22+$0x0 ss:$0x1] =	vst.idx.msk $0xffff, v2  }
0x67: {  	v41 =	vld [tilespmem:s27+$0x0];
	v37 =	vunpack.i.u.s16.s32 v21;
	[tilespmem:v0+s22+$0x2000 ss:$0x1] =	vst.idx.msk $0xffff, v35;
	v38 =	vpack.i.b32.b16 v14, v34  }
0x68: {  	v46 =	vld [tilespmem:s25+$0x0];
	v39 =	vunpack.i.l.s16.s32 v20;
	v40 =	vpack.i.b32.b16 v8, v37;
	[tilespmem:v0+s22+$0x10 ss:$0x1] =	vst.idx.msk $0xffff, v38  }
0x69: {  	v42 =	vunpack.i.u.s16.s32 v20;
	v43 =	vpack.i.b32.b16 v12, v39;
	[tilespmem:v0+s22+$0x2010 ss:$0x1] =	vst.idx.msk $0xffff, v40  }
0x6a: {  	v45 =	vpack.i.b32.b16 v6, v42;
	v44 =	vunpack.i.l.s16.s32 v33;
	[tilespmem:v0+s22+$0x20 ss:$0x1] =	vst.idx.msk $0xffff, v43  }
0x6b: {  	v48 =	vunpack.i.l.s16.s32 v36;
	[tilespmem:v0+s22+$0x2020 ss:$0x1] =	vst.idx.msk $0xffff, v45;
	v47 =	vpack.i.b32.b16 v7, v44  }
0x6c: {  	v51 =	vunpack.i.l.s16.s32 v17;
	v52 =	vunpack.i.l.s16.s32 v41;
	v50 =	vpack.i.b32.b16 v4, v48;
	[tilespmem:v0+s22+$0x30 ss:$0x1] =	vst.idx.msk $0xffff, v47  }
0x6d: {  	v57 =	vunpack.i.l.s16.s32 v16;
	v58 =	vunpack.i.l.s16.s32 v46;
	v56 =	vpack.i.b32.b16 v51, v52;
	[tilespmem:v0+s22+$0x40 ss:$0x1] =	vst.idx.msk $0xffff, v50  }
0x6e: {  	p0 =	slt.u32 s19, $0x6;
	v1 =	vunpack.i.u.s16.s32 v33;
	v62 =	vpack.i.b32.b16 v57, v58;
	[tilespmem:v0+s22+$0x50 ss:$0x1] =	vst.idx.msk $0xffff, v56  }
.Ltmp4:
0x6f: {  	v49 =	vunpack.i.u.s16.s32 v36;
	v1 =	vpack.i.b32.b16 v5, v1;
	[tilespmem:v0+s22+$0x60 ss:$0x1] =	vst.idx.msk $0xffff, v62;
	(pc) =	sbr.rel @p0 .LBB1_3-.Ltmp4, $4  }
0x70: {  	v54 =	vunpack.i.u.s16.s32 v17;
	v55 =	vunpack.i.u.s16.s32 v41;
	v53 =	vpack.i.b32.b16 v3, v49;
	[tilespmem:v0+s22+$0x2030 ss:$0x1] =	vst.idx.msk $0xffff, v1  }
0x71: {  	v60 =	vunpack.i.u.s16.s32 v16;
	v61 =	vunpack.i.u.s16.s32 v46;
	v59 =	vpack.i.b32.b16 v54, v55;
	[tilespmem:v0+s22+$0x2040 ss:$0x1] =	vst.idx.msk $0xffff, v53  }
0x72: {  	s0 =	sadd.s32 $0x2, s19;
	v63 =	vpack.i.b32.b16 v60, v61;
	[tilespmem:v0+s22+$0x2050 ss:$0x1] =	vst.idx.msk $0xffff, v59  }
0x73: {  	s19 =	smov.u32 s0;
	[tilespmem:v0+s22+$0x2060 ss:$0x1] =	vst.idx.msk $0xffff, v63  }
0x74: {  	s0 =	sshll.u32 s12, $0x3  }
0x75: {  	s1 =	sshll.u32 s15, $0x7;
	s2 =	sshll.u32 s12, $0x1;
	s27 =	sshll.u32 s14, $0xC  }
0x76: {  	s28 =	sshll.u32 s13, $0xB;
	s3 =	sshrl.u32 s12, $0x1;
	s4 =	rddreg [dreg:$0x3]  }
0x77: {  	s29 =	sand.u32 $0x7, s12;
	s31 =	simm.s32 $0x4000;
	s21 =	smov.u32 s5  }
0x78: {  	s1 =	sand.u32 $0x300, s1;
	s0 =	sand.u32 $0xC00, s0;
	s2 =	sand.u32 $0xF0, s2  }
.Ltmp5:
0x79: {  	s0 =	sor.u32 s1, s0;
	s1 =	sadd.s32 s4, s27;
	(pc) =	sbr.rel .LBB1_7-.Ltmp5, $4  }
0x7a: {  	s3 =	sand.u32 $0x700, s3;
	s0 =	sor.u32 s2, s0;
	s1 =	sadd.s32 s28, s1  }
0x7b: {  	s2 =	sshll.u32 s29, $0x12;
	s0 =	sshrl.u32 s0, $0x4;
	s1 =	sadd.s32 s3, s1  }
0x7c: {  	s5 =	rddreg [dreg:$0x4];
	s30 =	sor.u32 $0x2000, s2;
	s0 =	sadd.s32 s0, s1  }
0x7d: {  	[hbm4b:s0+s30] =	stream.strided.scatter [tilespmem:s16], [sflag:$0x2], $0x4000, s31, s30, $0x38;
	[tilespmem:$0x10000] =	vst v63  }
.LBB1_8:
0x7e: {  	_ =	sfence.sel $0x180000  }
0x7f: {  	s0 =	simm.s32 $0x1;
	[bflag:$0x0] =	sbarrier.arrive $0xFFFF  }
0x80: {  	s30 =	simm.s32 $0x2;
	[sflag:s0] =	ssyncpa.u1 $0x1  }
0x81: {  	[sflag:s30] =	ssyncpa.u1 $0x1  }
0x82: {  	_ =	strace $0x90000047  }
0x83: {  	s31 =	stileid.u32;
	[bflag:$0x2] =	sbarrier.arrive $0xFFFF  }
0x84: {  	p0 =	sne.s32 s31, $0x0;
	s0 =	rddreg [dreg:$0x1]  }
0x85: {  	s0 =	sadd.s32 @!p0 $0x100000, s0  }
0x86: {  	[sflag:s0] =	ssyncadd.tile.s32 @!p0 $0x1;
	_ =	shalt  }
.Lfunc_end1:
_tile_overlayer_lowered:
.L_overlay_start_2:
0x87: {  	(tag) =	ssettag $0x2  }
0x88: {  	s0 =	rddreg [dreg:$0x0];
	s2 =	stileid.u32  }
0x89: {  	s1 =	rddreg [dreg:$0x1];
	p0 =	sne.s32 s2, $0x0  }
0x8a: {  	s3 =	rddreg [dreg:$0x2];
	[bflag:$0x3] =	sbarrier.arrive $0xFFFF;
	s2 =	simm.s32 @!p0 $0x1C01  }
0x8b: {  	[timem:s3], [sflag:s2] =	dma.local @!p0 [hbm:s0], s1  }
0x8c: {  	s0 =	simm.s32 @!p0 $0x1  }
0x8d: {  	_ =	swait.ge @!p0 [sflag:s0], s1  }
0x8e: {  	s1 =	ssub.s32 @!p0 $0x0, s1;
	[sflag:s0] =	ssyncset.done @!p0 $0x0  }
0x8f: {  	[sflag:s0] =	ssyncadd.s32 @!p0 s1  }
0x90: {  	[bflag:$0x3] =	sbarrier.arrive $0xFFFF  }
0x91: {  	_ =	shalt  }

</sc_bundles>
